<compile_context>
chip_gen: v7x
topology: tpu7x:2x2x1
jax: 0.10.2.dev20260603
libtpu: 0.0.44.dev20260713+nightly
codegen_flags: <defaults>
</compile_context>

<pallas_src>
import functools

import jax
import jax.numpy as jnp
from jax import lax
from jax.experimental import pallas as pl
from jax.experimental.pallas import tpu as pltpu
from jax.experimental.pallas import tpu_sc as plsc

_ALPHA = 3.0
_K = 64
_N = 4096
_D = 512
_BR = 256
_NC = 2
_NS = 16
_BPW = _N // (_NC * _NS)


def _sc_gather(idx, t1, t2):
    mesh = plsc.VectorSubcoreMesh(core_axis_name="c", subcore_axis_name="s")

    @functools.partial(
        pl.kernel,
        mesh=mesh,
        out_type=[
            jax.ShapeDtypeStruct((_N, _D), jnp.float32),
            jax.ShapeDtypeStruct((_N, _D), jnp.float32),
        ],
        scratch_types=[
            pltpu.VMEM((_BPW,), jnp.int32),
            pltpu.VMEM((_BPW, _D), jnp.float32),
            pltpu.SemaphoreType.DMA,
        ],
    )
    def gather_k(idx_hbm, t1_hbm, t2_hbm, o1_hbm, o2_hbm, idx_v, rows_v, sem):
        wid = lax.axis_index("s") * _NC + lax.axis_index("c")
        base = wid * _BPW
        pltpu.sync_copy(idx_hbm.at[pl.ds(base, _BPW)], idx_v)
        pltpu.async_copy(t1_hbm.at[idx_v], rows_v, sem).wait()
        pltpu.sync_copy(rows_v, o1_hbm.at[pl.ds(base, _BPW)])
        pltpu.async_copy(t2_hbm.at[idx_v], rows_v, sem).wait()
        pltpu.sync_copy(rows_v, o2_hbm.at[pl.ds(base, _BPW)])

    return gather_k(idx, t1, t2)


def _mlp_body(g_ref, wT_ref, b_ref, o_ref):
    x = jnp.dot(g_ref[...], wT_ref[...], preferred_element_type=jnp.float32)
    o_ref[...] = jnp.tanh(_ALPHA * (x + b_ref[...]))


def _mlp(g, wT, b):
    return pl.pallas_call(
        _mlp_body,
        grid=(_N // _BR,),
        in_specs=[
            pl.BlockSpec((_BR, _D), lambda i: (i, 0)),
            pl.BlockSpec((_D, _D), lambda i: (0, 0)),
            pl.BlockSpec((1, _D), lambda i: (0, 0)),
        ],
        out_specs=pl.BlockSpec((_BR, _D), lambda i: (i, 0)),
        out_shape=jax.ShapeDtypeStruct((_N, _D), jnp.float32),
    )(g, wT, b)


def _adj_body(m1_ref, m2_ref, noise_ref, o_ref):
    a = lax.dot_general(
        m1_ref[...], m2_ref[...],
        (((1,), (1,)), ((), ())),
        preferred_element_type=jnp.float32,
    )
    adj = jnp.maximum(jnp.tanh(_ALPHA * a), 0.0)
    v = adj + noise_ref[...]
    vb = lax.bitcast_convert_type(v, jnp.int32)

    def hi_body(i, t):
        bit = jnp.left_shift(jnp.int32(1), jnp.int32(29) - i)
        cand = t | bit
        cnt = jnp.sum((vb >= cand).astype(jnp.int32), axis=1, keepdims=True)
        return jnp.where(cnt >= _K, cand, t)

    t = lax.fori_loop(0, 30, hi_body, jnp.zeros((_BR, 1), jnp.int32))

    gt = vb > t
    eq = vb == t
    cntg = jnp.sum(gt.astype(jnp.int32), axis=1, keepdims=True)
    need = _K - cntg
    col = lax.broadcasted_iota(jnp.int32, (_BR, _N), 1)

    def ix_body(i, c):
        cand = c + jnp.left_shift(jnp.int32(1), jnp.int32(12) - i)
        f = jnp.sum((eq & (col <= cand)).astype(jnp.int32), axis=1,
                    keepdims=True)
        return jnp.where(f <= need, cand, c)

    c = lax.fori_loop(0, 13, ix_body, jnp.full((_BR, 1), -1, jnp.int32))

    mask = gt | (eq & (col <= c))
    o_ref[...] = jnp.where(mask, adj, 0.0)


def _adj_topk(m1, m2, noise):
    return pl.pallas_call(
        _adj_body,
        grid=(_N // _BR,),
        in_specs=[
            pl.BlockSpec((_BR, _D), lambda i: (i, 0)),
            pl.BlockSpec((_N, _D), lambda i: (0, 0)),
            pl.BlockSpec((_BR, _N), lambda i: (i, 0)),
        ],
        out_specs=pl.BlockSpec((_BR, _N), lambda i: (i, 0)),
        out_shape=jax.ShapeDtypeStruct((_N, _N), jnp.float32),
    )(m1, m2, noise)


def kernel(idx, e1_w, e2_w, l1_w, l1_b, l2_w, l2_b):
    idx = idx.astype(jnp.int32)
    g1, g2 = _sc_gather(idx, e1_w, e2_w)
    m1 = _mlp(g1, l1_w.T, l1_b.reshape(1, _D))
    m2 = _mlp(g2, l2_w.T, l2_b.reshape(1, _D))
    noise = jax.random.uniform(jax.random.key(1), (_N, _N),
                               dtype=jnp.float32) * 0.01
    return _adj_topk(m1, m2, noise)

# --- scband reference (transcript-rebuilt; emitter-appended) ---
"""Pipeline reference for scband-graph-directed-a-30502857736238 (READ-ONLY COPY).

The authoritative reference and input builder live on the scoring server;
editing this copy changes nothing except your own understanding.
"""

import jax, jax.numpy as jnp
import numpy as np

ALPHA = 3.0
K = 64
NUM_NODES = 10000
WINDOW = 512
N_IDX = 4096


def setup_inputs(seed: int = 0) -> dict:
    key = jax.random.key(seed)
    ks = jax.random.split(key, 7)
    idx = jax.random.randint(ks[0], (N_IDX,), 0, NUM_NODES, dtype=jnp.int64 if jax.config.jax_enable_x64 else jnp.int32)
    e1_w = jax.random.normal(ks[1], (NUM_NODES, WINDOW), dtype=jnp.float32)
    e2_w = jax.random.normal(ks[2], (NUM_NODES, WINDOW), dtype=jnp.float32)
    l1_w = jax.random.normal(ks[3], (WINDOW, WINDOW), dtype=jnp.float32) * (1.0 / np.sqrt(WINDOW))
    l1_b = jnp.zeros((WINDOW,), dtype=jnp.float32)
    l2_w = jax.random.normal(ks[4], (WINDOW, WINDOW), dtype=jnp.float32) * (1.0 / np.sqrt(WINDOW))
    l2_b = jnp.zeros((WINDOW,), dtype=jnp.float32)
    return {"idx": idx, "e1_w": e1_w, "e2_w": e2_w, "l1_w": l1_w, "l1_b": l1_b, "l2_w": l2_w, "l2_b": l2_b}


def reference(idx, e1_w, e2_w, l1_w, l1_b, l2_w, l2_b):
    # m1 = tanh(alpha * l1(e1(idx)))
    m1 = jnp.tanh(ALPHA * (jnp.take(e1_w, idx, axis=0) @ l1_w.T + l1_b))
    # m2 = tanh(alpha * l2(e2(idx)))
    m2 = jnp.tanh(ALPHA * (jnp.take(e2_w, idx, axis=0) @ l2_w.T + l2_b))
    # adj = relu(tanh(alpha * m1 @ m2^T))
    adj = jax.nn.relu(jnp.tanh(ALPHA * (m1 @ m2.T)))
    # top-k masking: keep top k per row (noise breaks ties, mask values set to 1)
    noise = jax.random.uniform(jax.random.key(1), adj.shape, dtype=jnp.float32) * 0.01
    s1, t1 = jax.lax.top_k(adj + noise, K)
    n = adj.shape[0]
    mask = jnp.zeros((n, n), dtype=adj.dtype).at[jnp.arange(n)[:, None], t1].set(1.0)
    return adj * mask

if __name__ == "__main__":
    import jax
    _d = setup_inputs()
    print(jax.jit(kernel)(*tuple(_d.values())))

</pallas_src>

<mosaic_0001>
#map = affine_map<(d0, d1) -> (0)>
#map1 = affine_map<(d0, d1) -> (0, 0)>
module attributes {stable_mosaic.version = 14 : i64} {
  func.func @gather_k(%arg0: i32, %arg1: i32, %arg2: memref<4096xi32, #tpu.memory_space<hbm>>, %arg3: memref<10000x512xf32, #tpu.memory_space<hbm>>, %arg4: memref<10000x512xf32, #tpu.memory_space<hbm>>, %arg5: memref<4096x512xf32, #tpu.memory_space<hbm>>, %arg6: memref<4096x512xf32, #tpu.memory_space<hbm>>, %arg7: memref<128xi32, #tpu.memory_space<vmem>>, %arg8: memref<128x512xf32, #tpu.memory_space<vmem>>, %arg9: memref<!tpu.dma_semaphore, #tpu.memory_space<semaphore_mem>>) attributes {dimension_semantics = [#tpu.dimension_semantics<core_parallel>, #tpu.dimension_semantics<subcore_parallel>], iteration_bounds = array<i64: 2, 16>, scalar_prefetch = 0 : i64, scratch_operands = 3 : i64, tpu.core_type = #tpu.core_type<sc_vector_subcore>, window_params = [{transform_indices = #map}, {transform_indices = #map1}, {transform_indices = #map1}, {transform_indices = #map1}, {transform_indices = #map1}]} {
    %mul3A = arith.constant 2 : i32
    %mul3A_0 = arith.muli %arg1, %mul3A : i32
    %add3A = arith.addi %mul3A_0, %arg0 : i32
    %mul3A_1 = arith.constant 128 : i32
    %mul3A_2 = arith.muli %add3A, %mul3A_1 : i32
    "tpu.region"() ({
      %run_scoped3A = tpu.sem_alloc : memref<!tpu.dma_semaphore, #tpu.memory_space<semaphore_mem>>
      %dma_start3A_13 = tpu.memref_slice %arg2[%mul3A_2] : memref<4096xi32, #tpu.memory_space<hbm>> -> memref<128xi32, #tpu.memory_space<hbm>>
      %dma_start3A_14 = tpu.memref_slice %arg2[%mul3A_2] : memref<4096xi32, #tpu.memory_space<hbm>> -> memref<128xi32, #tpu.memory_space<hbm>>
      tpu.enqueue_dma source(%dma_start3A_14 : memref<128xi32, #tpu.memory_space<hbm>>) target(%arg7 : memref<128xi32, #tpu.memory_space<vmem>>) target_semaphore(%run_scoped3A : memref<!tpu.dma_semaphore, #tpu.memory_space<semaphore_mem>>)
      %dma_wait3A_15 = tpu.memref_slice %arg2[%mul3A_2] : memref<4096xi32, #tpu.memory_space<hbm>> -> memref<128xi32, #tpu.memory_space<hbm>>
      %dma_wait3A_16 = tpu.memref_slice %arg2[%mul3A_2] : memref<4096xi32, #tpu.memory_space<hbm>> -> memref<128xi32, #tpu.memory_space<hbm>>
      tpu.wait_dma2 semaphore(%run_scoped3A : memref<!tpu.dma_semaphore, #tpu.memory_space<semaphore_mem>>) src(%dma_wait3A_16 : memref<128xi32, #tpu.memory_space<hbm>>) dst(%arg7 : memref<128xi32, #tpu.memory_space<vmem>>)
      tpu.yield
    }) : () -> ()
    %dma_start3A = arith.constant 0 : i32
    %dma_start3A_3 = arith.constant 0 : i32
    %dma_start3A_4 = tpu.memref_slice %arg3[%dma_start3A, %dma_start3A_3] : memref<10000x512xf32, #tpu.memory_space<hbm>> -> memref<10000x512xf32, #tpu.memory_space<hbm>>
    tpu.enqueue_indirect_dma source(%dma_start3A_4 : memref<10000x512xf32, #tpu.memory_space<hbm>>) target(%arg8 : memref<128x512xf32, #tpu.memory_space<vmem>>) offsets(%arg7 : memref<128xi32, #tpu.memory_space<vmem>>) semaphore(%arg9 : memref<!tpu.dma_semaphore, #tpu.memory_space<semaphore_mem>>)
    %dma_wait3A = arith.constant 0 : i32
    %dma_wait3A_5 = arith.constant 0 : i32
    %dma_wait3A_6 = tpu.memref_slice %arg3[%dma_wait3A, %dma_wait3A_5] : memref<10000x512xf32, #tpu.memory_space<hbm>> -> memref<10000x512xf32, #tpu.memory_space<hbm>>
    tpu.wait_indirect_dma semaphore(%arg9 : memref<!tpu.dma_semaphore, #tpu.memory_space<semaphore_mem>>) src(%dma_wait3A_6 : memref<10000x512xf32, #tpu.memory_space<hbm>>) dst(%arg8 : memref<128x512xf32, #tpu.memory_space<vmem>>)
    "tpu.region"() ({
      %run_scoped3A = tpu.sem_alloc : memref<!tpu.dma_semaphore, #tpu.memory_space<semaphore_mem>>
      %dma_start3A_13 = arith.constant 0 : i32
      %dma_start3A_14 = tpu.memref_slice %arg5[%mul3A_2, %dma_start3A_13] : memref<4096x512xf32, #tpu.memory_space<hbm>> -> memref<128x512xf32, #tpu.memory_space<hbm>>
      %dma_start3A_15 = arith.constant 0 : i32
      %dma_start3A_16 = tpu.memref_slice %arg5[%mul3A_2, %dma_start3A_15] : memref<4096x512xf32, #tpu.memory_space<hbm>> -> memref<128x512xf32, #tpu.memory_space<hbm>>
      tpu.enqueue_dma source(%arg8 : memref<128x512xf32, #tpu.memory_space<vmem>>) target(%dma_start3A_16 : memref<128x512xf32, #tpu.memory_space<hbm>>) target_semaphore(%run_scoped3A : memref<!tpu.dma_semaphore, #tpu.memory_space<semaphore_mem>>)
      %dma_wait3A_17 = arith.constant 0 : i32
      %dma_wait3A_18 = tpu.memref_slice %arg5[%mul3A_2, %dma_wait3A_17] : memref<4096x512xf32, #tpu.memory_space<hbm>> -> memref<128x512xf32, #tpu.memory_space<hbm>>
      %dma_wait3A_19 = arith.constant 0 : i32
      %dma_wait3A_20 = tpu.memref_slice %arg5[%mul3A_2, %dma_wait3A_19] : memref<4096x512xf32, #tpu.memory_space<hbm>> -> memref<128x512xf32, #tpu.memory_space<hbm>>
      tpu.wait_dma2 semaphore(%run_scoped3A : memref<!tpu.dma_semaphore, #tpu.memory_space<semaphore_mem>>) src(%arg8 : memref<128x512xf32, #tpu.memory_space<vmem>>) dst(%dma_wait3A_20 : memref<128x512xf32, #tpu.memory_space<hbm>>)
      tpu.yield
    }) : () -> ()
    %dma_start3A_7 = arith.constant 0 : i32
    %dma_start3A_8 = arith.constant 0 : i32
    %dma_start3A_9 = tpu.memref_slice %arg4[%dma_start3A_7, %dma_start3A_8] : memref<10000x512xf32, #tpu.memory_space<hbm>> -> memref<10000x512xf32, #tpu.memory_space<hbm>>
    tpu.enqueue_indirect_dma source(%dma_start3A_9 : memref<10000x512xf32, #tpu.memory_space<hbm>>) target(%arg8 : memref<128x512xf32, #tpu.memory_space<vmem>>) offsets(%arg7 : memref<128xi32, #tpu.memory_space<vmem>>) semaphore(%arg9 : memref<!tpu.dma_semaphore, #tpu.memory_space<semaphore_mem>>)
    %dma_wait3A_10 = arith.constant 0 : i32
    %dma_wait3A_11 = arith.constant 0 : i32
    %dma_wait3A_12 = tpu.memref_slice %arg4[%dma_wait3A_10, %dma_wait3A_11] : memref<10000x512xf32, #tpu.memory_space<hbm>> -> memref<10000x512xf32, #tpu.memory_space<hbm>>
    tpu.wait_indirect_dma semaphore(%arg9 : memref<!tpu.dma_semaphore, #tpu.memory_space<semaphore_mem>>) src(%dma_wait3A_12 : memref<10000x512xf32, #tpu.memory_space<hbm>>) dst(%arg8 : memref<128x512xf32, #tpu.memory_space<vmem>>)
    "tpu.region"() ({
      %run_scoped3A = tpu.sem_alloc : memref<!tpu.dma_semaphore, #tpu.memory_space<semaphore_mem>>
      %dma_start3A_13 = arith.constant 0 : i32
      %dma_start3A_14 = tpu.memref_slice %arg6[%mul3A_2, %dma_start3A_13] : memref<4096x512xf32, #tpu.memory_space<hbm>> -> memref<128x512xf32, #tpu.memory_space<hbm>>
      %dma_start3A_15 = arith.constant 0 : i32
      %dma_start3A_16 = tpu.memref_slice %arg6[%mul3A_2, %dma_start3A_15] : memref<4096x512xf32, #tpu.memory_space<hbm>> -> memref<128x512xf32, #tpu.memory_space<hbm>>
      tpu.enqueue_dma source(%arg8 : memref<128x512xf32, #tpu.memory_space<vmem>>) target(%dma_start3A_16 : memref<128x512xf32, #tpu.memory_space<hbm>>) target_semaphore(%run_scoped3A : memref<!tpu.dma_semaphore, #tpu.memory_space<semaphore_mem>>)
      %dma_wait3A_17 = arith.constant 0 : i32
      %dma_wait3A_18 = tpu.memref_slice %arg6[%mul3A_2, %dma_wait3A_17] : memref<4096x512xf32, #tpu.memory_space<hbm>> -> memref<128x512xf32, #tpu.memory_space<hbm>>
      %dma_wait3A_19 = arith.constant 0 : i32
      %dma_wait3A_20 = tpu.memref_slice %arg6[%mul3A_2, %dma_wait3A_19] : memref<4096x512xf32, #tpu.memory_space<hbm>> -> memref<128x512xf32, #tpu.memory_space<hbm>>
      tpu.wait_dma2 semaphore(%run_scoped3A : memref<!tpu.dma_semaphore, #tpu.memory_space<semaphore_mem>>) src(%arg8 : memref<128x512xf32, #tpu.memory_space<vmem>>) dst(%dma_wait3A_20 : memref<128x512xf32, #tpu.memory_space<hbm>>)
      tpu.yield
    }) : () -> ()
    return
  }
}

module attributes {stable_mosaic.version = 14 : i64} {
  func.func @_adj_body(%arg0: i32, %arg1: memref<256x512xf32, #tpu.memory_space<vmem>>, %arg2: memref<4096x512xf32, #tpu.memory_space<vmem>>, %arg3: memref<256x4096xf32, #tpu.memory_space<vmem>>, %arg4: memref<256x4096xf32, #tpu.memory_space<vmem>>) attributes {dimension_semantics = [#tpu.dimension_semantics<arbitrary>], iteration_bounds = array<i64: 16>, scalar_prefetch = 0 : i64, scratch_operands = 0 : i64, tpu.core_type = #tpu.core_type<tc>, window_params = [{transform_indices = @transform_0, window_bounds = array<i64: 256, 512>}, {pipeline_mode = #tpu.pipeline_mode<synchronous>, transform_indices = @transform_1, window_bounds = array<i64: 4096, 512>}, {transform_indices = @transform_2, window_bounds = array<i64: 256, 4096>}, {transform_indices = @transform_3, window_bounds = array<i64: 256, 4096>}]} {
    %get3A = arith.constant 0 : index
    %get3A_0 = arith.constant 0 : index
    %get3A_1 = vector.load %arg1[%get3A, %get3A_0] : memref<256x512xf32, #tpu.memory_space<vmem>>, vector<256x512xf32>
    %get3A_2 = arith.constant 0 : index
    %get3A_3 = arith.constant 0 : index
    %get3A_4 = vector.load %arg2[%get3A_2, %get3A_3] : memref<4096x512xf32, #tpu.memory_space<vmem>>, vector<4096x512xf32>
    %dot_general3A = arith.constant dense<0.000000e+00> : vector<256x4096xf32>
    %dot_general3A_5 = tpu.matmul %get3A_1, %get3A_4, %dot_general3A {dimension_numbers = #tpu.dot_dimension_numbers<[1], [1], [0], [0], [0, 0, 1, 0], [], []>, transpose_lhs_hint = false} : vector<256x512xf32>, vector<4096x512xf32>, vector<256x4096xf32> -> vector<256x4096xf32>
    %mul3A = arith.constant 3.000000e+00 : f32
    %mul3A_6 = vector.broadcast %mul3A : f32 to vector<256x4096xf32>
    %mul3A_7 = arith.mulf %mul3A_6, %dot_general3A_5 : vector<256x4096xf32>
    %tanh3A = math.tanh %mul3A_7 : vector<256x4096xf32>
    %max3A = arith.constant 0.000000e+00 : f32
    %max3A_8 = vector.broadcast %max3A : f32 to vector<256x4096xf32>
    %max3A_9 = arith.maximumf %tanh3A, %max3A_8 : vector<256x4096xf32>
    %get3A_10 = arith.constant 0 : index
    %get3A_11 = arith.constant 0 : index
    %get3A_12 = vector.load %arg3[%get3A_10, %get3A_11] : memref<256x4096xf32, #tpu.memory_space<vmem>>, vector<256x4096xf32>
    %add3A = arith.addf %max3A_9, %get3A_12 : vector<256x4096xf32>
    %bitcast_convert_type3A = tpu.bitcast %add3A : vector<256x4096xf32> -> vector<256x4096xi32>
    %broadcast_in_dim3A = arith.constant 0 : i32
    %broadcast_in_dim3A_13 = vector.broadcast %broadcast_in_dim3A : i32 to vector<256x1xi32>
    %scan3A = arith.constant 0 : i32
    %scan3A_14 = arith.constant 30 : i32
    %scan3A_15 = arith.addi %scan3A, %scan3A_14 : i32
    %scan3A_16 = arith.constant 1 : i32
    %scan3A_17 = scf.for %scan3A_37 = %scan3A to %scan3A_15 step %scan3A_16 iter_args(%scan3A_38 = %broadcast_in_dim3A_13) -> (vector<256x1xi32>)  : i32 {
      %sub3A_39 = arith.constant 29 : i32
      %sub3A_40 = arith.subi %sub3A_39, %scan3A_37 : i32
      %shift_left3A = arith.constant 1 : i32
      %shift_left3A_41 = arith.shli %shift_left3A, %sub3A_40 : i32
      %or3A_42 = vector.broadcast %shift_left3A_41 : i32 to vector<256x1xi32>
      %or3A_43 = arith.ori %scan3A_38, %or3A_42 : vector<256x1xi32>
      %ge3A = vector.broadcast %or3A_43 : vector<256x1xi32> to vector<256x4096xi32>
      %ge3A_44 = arith.cmpi sge, %bitcast_convert_type3A, %ge3A : vector<256x4096xi32>
      %convert_element_type3A_45 = arith.extui %ge3A_44 : vector<256x4096xi1> to vector<256x4096xi32>
      %reduce_sum3A_46 = arith.constant dense<0> : vector<256xi32>
      %reduce_sum3A_47 = vector.multi_reduction <add>, %convert_element_type3A_45, %reduce_sum3A_46 [1] : vector<256x4096xi32> to vector<256xi32>
      %broadcast_in_dim3A_48 = vector.shape_cast %reduce_sum3A_47 : vector<256xi32> to vector<256x1xi32>
      %ge3A_49 = arith.constant 64 : i32
      %ge3A_50 = vector.broadcast %ge3A_49 : i32 to vector<256x1xi32>
      %ge3A_51 = arith.cmpi sge, %broadcast_in_dim3A_48, %ge3A_50 : vector<256x1xi32>
      %select_n3A_52 = arith.select %ge3A_51, %or3A_43, %scan3A_38 : vector<256x1xi1>, vector<256x1xi32>
      scf.yield %select_n3A_52 : vector<256x1xi32>
    }
    %scan3A_18 = arith.constant 30 : i32
    %gt3A = vector.broadcast %scan3A_17 : vector<256x1xi32> to vector<256x4096xi32>
    %gt3A_19 = arith.cmpi sgt, %bitcast_convert_type3A, %gt3A : vector<256x4096xi32>
    %eq3A = vector.broadcast %scan3A_17 : vector<256x1xi32> to vector<256x4096xi32>
    %eq3A_20 = arith.cmpi eq, %bitcast_convert_type3A, %eq3A : vector<256x4096xi32>
    %convert_element_type3A = arith.extui %gt3A_19 : vector<256x4096xi1> to vector<256x4096xi32>
    %reduce_sum3A = arith.constant dense<0> : vector<256xi32>
    %reduce_sum3A_21 = vector.multi_reduction <add>, %convert_element_type3A, %reduce_sum3A [1] : vector<256x4096xi32> to vector<256xi32>
    %broadcast_in_dim3A_22 = vector.shape_cast %reduce_sum3A_21 : vector<256xi32> to vector<256x1xi32>
    %sub3A = arith.constant 64 : i32
    %sub3A_23 = vector.broadcast %sub3A : i32 to vector<256x1xi32>
    %sub3A_24 = arith.subi %sub3A_23, %broadcast_in_dim3A_22 : vector<256x1xi32>
    %iota3A = tpu.iota {dimensions = array<i32: 1>} : vector<256x4096xi32>
    %broadcast_in_dim3A_25 = arith.constant -1 : i32
    %broadcast_in_dim3A_26 = vector.broadcast %broadcast_in_dim3A_25 : i32 to vector<256x1xi32>
    %scan3A_27 = arith.constant 0 : i32
    %scan3A_28 = arith.constant 13 : i32
    %scan3A_29 = arith.addi %scan3A_27, %scan3A_28 : i32
    %scan3A_30 = arith.constant 1 : i32
    %scan3A_31 = scf.for %scan3A_37 = %scan3A_27 to %scan3A_29 step %scan3A_30 iter_args(%scan3A_38 = %broadcast_in_dim3A_26) -> (vector<256x1xi32>)  : i32 {
      %sub3A_39 = arith.constant 12 : i32
      %sub3A_40 = arith.subi %sub3A_39, %scan3A_37 : i32
      %shift_left3A = arith.constant 1 : i32
      %shift_left3A_41 = arith.shli %shift_left3A, %sub3A_40 : i32
      %add3A_42 = vector.broadcast %shift_left3A_41 : i32 to vector<256x1xi32>
      %add3A_43 = arith.addi %scan3A_38, %add3A_42 : vector<256x1xi32>
      %le3A_44 = vector.broadcast %add3A_43 : vector<256x1xi32> to vector<256x4096xi32>
      %le3A_45 = arith.cmpi sle, %iota3A, %le3A_44 : vector<256x4096xi32>
      %and3A_46 = arith.andi %eq3A_20, %le3A_45 : vector<256x4096xi1>
      %convert_element_type3A_47 = arith.extui %and3A_46 : vector<256x4096xi1> to vector<256x4096xi32>
      %reduce_sum3A_48 = arith.constant dense<0> : vector<256xi32>
      %reduce_sum3A_49 = vector.multi_reduction <add>, %convert_element_type3A_47, %reduce_sum3A_48 [1] : vector<256x4096xi32> to vector<256xi32>
      %broadcast_in_dim3A_50 = vector.shape_cast %reduce_sum3A_49 : vector<256xi32> to vector<256x1xi32>
      %le3A_51 = arith.cmpi sle, %broadcast_in_dim3A_50, %sub3A_24 : vector<256x1xi32>
      %select_n3A_52 = arith.select %le3A_51, %add3A_43, %scan3A_38 : vector<256x1xi1>, vector<256x1xi32>
      scf.yield %select_n3A_52 : vector<256x1xi32>
    }
    %scan3A_32 = arith.constant 13 : i32
    %le3A = vector.broadcast %scan3A_31 : vector<256x1xi32> to vector<256x4096xi32>
    %le3A_33 = arith.cmpi sle, %iota3A, %le3A : vector<256x4096xi32>
    %and3A = arith.andi %eq3A_20, %le3A_33 : vector<256x4096xi1>
    %or3A = arith.ori %gt3A_19, %and3A : vector<256x4096xi1>
    %jit3A = arith.constant 0.000000e+00 : f32
    %broadcast_in_dim3A_34 = vector.broadcast %jit3A : f32 to vector<256x4096xf32>
    %select_n3A = arith.select %or3A, %max3A_9, %broadcast_in_dim3A_34 : vector<256x4096xi1>, vector<256x4096xf32>
    %swap3A = arith.constant 0 : index
    %swap3A_35 = arith.constant 0 : index
    %swap3A_36 = vector.load %arg4[%swap3A, %swap3A_35] : memref<256x4096xf32, #tpu.memory_space<vmem>>, vector<256x4096xf32>
    tpu.vector_store %arg4[%swap3A, %swap3A_35], %select_n3A {strides = array<i32>} : memref<256x4096xf32, #tpu.memory_space<vmem>>, vector<256x4096xf32>,
    return
  }
  func.func @transform_0(%arg0: i32) -> (i32, i32) {
    %c0_i32 = arith.constant 0 : i32
    %c0_i32_0 = arith.constant 0 : i32
    return %arg0, %c0_i32 : i32, i32
  }
  func.func @transform_1(%arg0: i32) -> (i32, i32) {
    %c0_i32 = arith.constant 0 : i32
    %c0_i32_0 = arith.constant 0 : i32
    %c0_i32_1 = arith.constant 0 : i32
    return %c0_i32, %c0_i32_0 : i32, i32
  }
  func.func @transform_2(%arg0: i32) -> (i32, i32) {
    %c0_i32 = arith.constant 0 : i32
    %c0_i32_0 = arith.constant 0 : i32
    return %arg0, %c0_i32 : i32, i32
  }
  func.func @transform_3(%arg0: i32) -> (i32, i32) {
    %c0_i32 = arith.constant 0 : i32
    %c0_i32_0 = arith.constant 0 : i32
    return %arg0, %c0_i32 : i32, i32
  }
}

module attributes {stable_mosaic.version = 14 : i64} {
  func.func @_mlp_body(%arg0: i32, %arg1: memref<256x512xf32, #tpu.memory_space<vmem>>, %arg2: memref<512x512xf32, #tpu.memory_space<vmem>>, %arg3: memref<1x512xf32, #tpu.memory_space<vmem>>, %arg4: memref<256x512xf32, #tpu.memory_space<vmem>>) attributes {dimension_semantics = [#tpu.dimension_semantics<arbitrary>], iteration_bounds = array<i64: 16>, scalar_prefetch = 0 : i64, scratch_operands = 0 : i64, tpu.core_type = #tpu.core_type<tc>, window_params = [{transform_indices = @transform_0, window_bounds = array<i64: 256, 512>}, {pipeline_mode = #tpu.pipeline_mode<synchronous>, transform_indices = @transform_1, window_bounds = array<i64: 512, 512>}, {pipeline_mode = #tpu.pipeline_mode<synchronous>, transform_indices = @transform_2, window_bounds = array<i64: 1, 512>}, {transform_indices = @transform_3, window_bounds = array<i64: 256, 512>}]} {
    %get3A = arith.constant 0 : index
    %get3A_0 = arith.constant 0 : index
    %get3A_1 = vector.load %arg1[%get3A, %get3A_0] : memref<256x512xf32, #tpu.memory_space<vmem>>, vector<256x512xf32>
    %get3A_2 = arith.constant 0 : index
    %get3A_3 = arith.constant 0 : index
    %get3A_4 = vector.load %arg2[%get3A_2, %get3A_3] : memref<512x512xf32, #tpu.memory_space<vmem>>, vector<512x512xf32>
    %dot_general3A = arith.constant dense<0.000000e+00> : vector<256x512xf32>
    %dot_general3A_5 = tpu.matmul %get3A_1, %get3A_4, %dot_general3A {dimension_numbers = #tpu.dot_dimension_numbers<[1], [0], [0], [1], [0, 0, 1, 1], [], []>, transpose_lhs_hint = false} : vector<256x512xf32>, vector<512x512xf32>, vector<256x512xf32> -> vector<256x512xf32>
    %get3A_6 = arith.constant 0 : index
    %get3A_7 = arith.constant 0 : index
    %get3A_8 = vector.load %arg3[%get3A_6, %get3A_7] : memref<1x512xf32, #tpu.memory_space<vmem>>, vector<1x512xf32>
    %add3A = vector.broadcast %get3A_8 : vector<1x512xf32> to vector<256x512xf32>
    %add3A_9 = arith.addf %dot_general3A_5, %add3A : vector<256x512xf32>
    %mul3A = arith.constant 3.000000e+00 : f32
    %mul3A_10 = vector.broadcast %mul3A : f32 to vector<256x512xf32>
    %mul3A_11 = arith.mulf %mul3A_10, %add3A_9 : vector<256x512xf32>
    %tanh3A = math.tanh %mul3A_11 : vector<256x512xf32>
    %swap3A = arith.constant 0 : index
    %swap3A_12 = arith.constant 0 : index
    %swap3A_13 = vector.load %arg4[%swap3A, %swap3A_12] : memref<256x512xf32, #tpu.memory_space<vmem>>, vector<256x512xf32>
    tpu.vector_store %arg4[%swap3A, %swap3A_12], %tanh3A {strides = array<i32>} : memref<256x512xf32, #tpu.memory_space<vmem>>, vector<256x512xf32>,
    return
  }
  func.func @transform_0(%arg0: i32) -> (i32, i32) {
    %c0_i32 = arith.constant 0 : i32
    %c0_i32_0 = arith.constant 0 : i32
    return %arg0, %c0_i32 : i32, i32
  }
  func.func @transform_1(%arg0: i32) -> (i32, i32) {
    %c0_i32 = arith.constant 0 : i32
    %c0_i32_0 = arith.constant 0 : i32
    %c0_i32_1 = arith.constant 0 : i32
    return %c0_i32, %c0_i32_0 : i32, i32
  }
  func.func @transform_2(%arg0: i32) -> (i32, i32) {
    %c0_i32 = arith.constant 0 : i32
    %c0_i32_0 = arith.constant 0 : i32
    %c0_i32_1 = arith.constant 0 : i32
    return %c0_i32, %c0_i32_0 : i32, i32
  }
  func.func @transform_3(%arg0: i32) -> (i32, i32) {
    %c0_i32 = arith.constant 0 : i32
    %c0_i32_0 = arith.constant 0 : i32
    return %arg0, %c0_i32 : i32, i32
  }
}

</mosaic_0001>

<sc_bundles>
// kernel: kernel.6.cloned.1.call-start
scs
__scs_entry_jumppad:
0x0: {  	(pc) =	sbr.rel $0x88, $3  }
0x1: {  	(tag) =	ssettag $0x0;
	lr =	simm.s32 $0x1  }
0x2: {  	[smem:$0x3F9A] =	sst lr;
	_ =	strace $0xD0000000  }
0x3: {  	_ = 	snop  }
0x4: {  	_ = 	snop  }
0x5: {  	_ = 	snop  }
0x6: {  	_ = 	snop  }
0x7: {  	_ = 	snop  }
__scs_overlays_trampoline_lowered:
0x8: {  	[smem:$0x3FA9] =	sst s0  }
0x9: {  	[smem:$0x3FAA] =	sst s1  }
0xa: {  	[smem:$0x3FAB] =	sst s2  }
0xb: {  	[smem:$0x3FAC] =	sst s3  }
0xc: {  	[smem:$0x3FAD] =	sst s4  }
0xd: {  	[smem:$0x3FAE] =	sst s5  }
0xe: {  	[smem:$0x3FAF] =	sst s6  }
0xf: {  	[smem:$0x3FB0] =	sst s7  }
0x10: {  	[smem:$0x3FB1] =	sst s8  }
0x11: {  	[smem:$0x3FB2] =	sst s9;
	s0 =	simm.s32 @!p0 $0x0  }
0x12: {  	s1 =	sld [smem:$0x3F98];
	s0 =	simm.s32 @p0 $0x1  }
0x13: {  	[smem:$0x3FB3] =	sst s0;
	s0 =	simm.s32 @!p1 $0x0  }
0x14: {  	s2 =	sld [smem:$0x3F97];
	s0 =	simm.s32 @p1 $0x1  }
0x15: {  	[smem:$0x3FB4] =	sst s0;
	s0 =	simm.s32 @!p2 $0x0  }
0x16: {  	s3 =	sld [smem:$0x3FDB];
	s0 =	simm.s32 @p2 $0x1  }
0x17: {  	s4 =	simm.s32 $0x1BF5;
	[smem:$0x3FB6] =	sst s0  }
0x18: {  	s0 =	sld [smem:$0x3F99];
	_ =	swait.ge [sflag:s4], $0x0  }
0x19: {  	s7 =	sld [smem:$0x3F9A]  }
0x1a: {  	s8 =	sadd.s32 $0xFFFFE003, lr  }
0x1b: {  	s9 =	sadd.s32 $0xFFFFFEF7, lr;
	s5 =	simm.s32 $0xFFFFFFFF;
	p2 =	slt.u32 s8, $0xFFFFF086  }
0x1c: {  	p1 =	slt.u32 s9, $0xF7A;
	s5 =	simm.s32 @!p2 $0x0  }
0x1d: {  	s5 =	simm.s32 @p1 $0x1;
	p0 =	seq.s32 s7, s2  }
0x1e: {  	s7 =	smul.u32 @!p0 $0xF7A, s2;
	p2 =	seq.s32 @!p0 s5, $0x0  }
0x1f: {  	s9 =	smul.u32 $0xF7A, s1;
	s8 =	simm.s32 @!p0 $0x1BF5;
	p2 =	por !p2, p0  }
0x20: {  	[sflag:s8] =	ssyncset.s32 @!p0 $0xFFFFF086;
	s6 =	sadd.s32 @!p0 s3, s7;
	s7 =	simm.s32 @!p0 $0x108  }
0x21: {  	s3 =	sadd.s32 s3, s9;
	s6 =	sadd.s32 @!p0 $0x88, s6;
	s7 =	simm.s32 @p2 $0x1082  }
0x22: {  	[simem:s7], [sflag:s8] =	dma.local @!p0 [hbm:s6], $0xF7A  }
0x23: {  	s9 =	sor.u32 $0xD0000000, s2;
	s6 =	simm.s32 $0x108;
	_ =	swait.ge @!p0 [sflag:s8], $0x0  }
0x24: {  	s3 =	sadd.s32 $0x88, s3;
	s6 =	simm.s32 @!p1 $0x1082;
	[sflag:s4] =	ssyncset.s32 $0xFFFFF086  }
0x25: {  	[simem:s6], [sflag:s4] =	dma.local [hbm:s3], $0xF7A  }
0x26: {  	[smem:$0x3F9A] =	sst s1;
	(tag) =	ssettag s2;
	_ =	strace s9  }
0x27: {  	s1 =	sld [smem:$0x3FAA]  }
0x28: {  	s2 =	sld [smem:$0x3FAB]  }
0x29: {  	s4 =	sld [smem:$0x3FAD]  }
0x2a: {  	p0 =	seq.s32 s5, $0x0;
	s5 =	sld [smem:$0x3FAE]  }
0x2b: {  	s6 =	sld [smem:$0x3FAF]  }
0x2c: {  	s7 =	sld [smem:$0x3FB0]  }
0x2d: {  	s3 =	simm.s32 $0x108;
	s8 =	sld [smem:$0x3FB1]  }
0x2e: {  	s3 =	simm.s32 @!p0 $0x1082;
	s9 =	sld [smem:$0x3FB2]  }
0x2f: {  	lr =	sadd.s32 s0, s3;
	s0 =	sld [smem:$0x3FA9]  }
0x30: {  	s3 =	sld [smem:$0x3FAC]  }
0x31: {  	[smem:$0x3FB5] =	sst s10  }
0x32: {  	s10 =	sld [smem:$0x3FB3];
	_ =	sdelay $0x3  }
0x33: {  	p0 =	seq.s32 s10, $0x1;
	s10 =	sld [smem:$0x3FB5];
	_ =	sdelay $0x3  }
0x34: {  	[smem:$0x3FB5] =	sst s10  }
0x35: {  	s10 =	sld [smem:$0x3FB4];
	_ =	sdelay $0x3  }
0x36: {  	p1 =	seq.s32 s10, $0x1;
	s10 =	sld [smem:$0x3FB5];
	_ =	sdelay $0x3  }
0x37: {  	[smem:$0x3FB5] =	sst s10  }
0x38: {  	s10 =	sld [smem:$0x3FB6]  }
0x39: {  	_ = 	snop;
	(pc) =	sbr.ind lr, $3  }
0x3a: {  	_ = 	snop  }
0x3b: {  	_ = 	snop  }
0x3c: {  	p2 =	seq.s32 s10, $0x1;
	s10 =	sld [smem:$0x3FB5]  }
0x3d: {  	_ =	shalt  }
0x3e: {  	_ =	shalt  }
0x3f: {  	_ =	shalt  }
0x40: {  	_ =	shalt  }
0x41: {  	_ =	shalt  }
0x42: {  	_ =	shalt  }
0x43: {  	_ =	shalt  }
0x44: {  	_ =	shalt  }
0x45: {  	_ =	shalt  }
0x46: {  	_ =	shalt  }
0x47: {  	_ =	shalt  }
0x48: {  	_ =	shalt  }
0x49: {  	_ =	shalt  }
0x4a: {  	_ =	shalt  }
0x4b: {  	_ =	shalt  }
0x4c: {  	_ =	shalt  }
0x4d: {  	_ =	shalt  }
0x4e: {  	_ =	shalt  }
0x4f: {  	_ =	shalt  }
0x50: {  	_ =	shalt  }
0x51: {  	_ =	shalt  }
0x52: {  	_ =	shalt  }
0x53: {  	_ =	shalt  }
0x54: {  	_ =	shalt  }
0x55: {  	_ =	shalt  }
0x56: {  	_ =	shalt  }
0x57: {  	_ =	shalt  }
0x58: {  	_ =	shalt  }
0x59: {  	_ =	shalt  }
0x5a: {  	_ =	shalt  }
0x5b: {  	_ =	shalt  }
0x5c: {  	_ =	shalt  }
0x5d: {  	_ =	shalt  }
0x5e: {  	_ =	shalt  }
0x5f: {  	_ =	shalt  }
0x60: {  	_ =	shalt  }
0x61: {  	_ =	shalt  }
0x62: {  	_ =	shalt  }
0x63: {  	_ =	shalt  }
0x64: {  	_ =	shalt  }
0x65: {  	_ =	shalt  }
0x66: {  	_ =	shalt  }
0x67: {  	_ =	shalt  }
0x68: {  	_ =	shalt  }
0x69: {  	_ =	shalt  }
0x6a: {  	_ =	shalt  }
0x6b: {  	_ =	shalt  }
0x6c: {  	_ =	shalt  }
0x6d: {  	_ =	shalt  }
0x6e: {  	_ =	shalt  }
0x6f: {  	_ =	shalt  }
0x70: {  	_ =	shalt  }
0x71: {  	_ =	shalt  }
0x72: {  	_ =	shalt  }
0x73: {  	_ =	shalt  }
0x74: {  	_ =	shalt  }
0x75: {  	_ =	shalt  }
0x76: {  	_ =	shalt  }
0x77: {  	_ =	shalt  }
0x78: {  	_ =	shalt  }
0x79: {  	_ =	shalt  }
0x7a: {  	_ =	shalt  }
0x7b: {  	_ =	shalt  }
0x7c: {  	_ =	shalt  }
0x7d: {  	_ =	shalt  }
0x7e: {  	_ =	shalt  }
0x7f: {  	_ =	shalt  }
0x80: {  	_ =	shalt  }
0x81: {  	_ =	shalt  }
0x82: {  	_ =	shalt  }
0x83: {  	_ =	shalt  }
0x84: {  	_ =	shalt  }
0x85: {  	_ =	shalt  }
0x86: {  	_ =	shalt  }
0x87: {  	_ =	shalt  }
.Lfunc_end0:
.L_simem_size_0:
called_computation_lowered:
.L_overlay_start_0:
0x88: {  	s2 =	sld [smem:$0x3FD9]  }
0x89: {  	s3 =	sld [smem:$0x3FFE];
	_ =	sdelay $0x1  }
0x8a: {  	s1 =	srdreg.scid  }
0x8b: {  	s0 =	sand.u32 $0x1, s1  }
0x8c: {  	s17 =	sshll.u32 s0, $0xA;
	s2 =	sadd.s32 s3, s2  }
0x8d: {  	s2 =	sadd.s32 s2, s17  }
0x8e: {  	[smem:$0x3FC1] =	sst s2  }
0x8f: {  	_ = 	snop  }
0x90: {  	s2 =	sld [smem:$0x3FC9]  }
0x91: {  	s18 =	sld [smem:$0x3FC8]  }
0x92: {  	s4 =	sld [smem:$0x3FC7]  }
0x93: {  	s5 =	sld [smem:$0x3FD0];
	(tm) =	ssettm $0x1  }
0x94: {  	s6 =	sld [smem:$0x3FFB];
	_ =	sdelay $0x3  }
0x95: {  	_ =	strace s6  }
0x96: {  	s6 =	sld [smem:$0x3FFC];
	_ =	sdelay $0x3  }
0x97: {  	_ =	strace s6  }
0x98: {  	s6 =	sld [smem:$0x3FFD];
	_ =	sdelay $0x3  }
0x99: {  	_ =	strace s6  }
0x9a: {  	_ =	strace $0x8FFFFFFF  }
0x9b: {  	s19 =	sld [smem:$0x3FDB];
	_ =	sdelay $0x1  }
0x9c: {  	s7 =	simm.s32 $_scs_section_size  }
0x9d: {  	s8 =	simm.s32 $_size__tile_overlayer_lowered;
	s9 =	simm.s32 $_tile_overlayer_lowered  }
0x9e: {  	s22 =	simm.s32 $0x1BFF;
	s21 =	sshll.u32 s9, $0x1;
	s6 =	sadd.s32 s7, s19  }
0x9f: {  	s10 =	simm.s32 $0x0;
	s20 =	sshll.u32 s8, $0x1;
	s8 =	sadd.s32 s21, s6  }
0xa0: {  	[timem:s10], [sflag:s22] =	dma.local [hbm:s8], s20  }
0xa1: {  	_ =	swait.ge [sflag:s22], s20  }
0xa2: {  	s7 =	ssub.s32 $0x0, s20;
	[sflag:s22] =	ssyncset.done $0x0  }
0xa3: {  	[sflag:s22] =	ssyncadd.s32 s7;
	_ =	sdelay $0x1  }
0xa4: {  	s23 =	simm.s32 $0x1B8B  }
0xa5: {  	_ =	swait.ge [sflag:s23], $0x1  }
0xa6: {  	[sflag:s23] =	ssyncset.done $0x0  }
0xa7: {  	s25 =	simm.s32 $0x1B8E;
	s24 =	sld [smem:$0x3FFE];
	[sflag:s23] =	ssyncadd.s32 $0xFFFFFFFF  }
0xa8: {  	s26 =	simm.s32 $execute0_lowered;
	[smem:$0x3FD2] =	sst s25  }
0xa9: {  	s8 =	sshll.u32 s26, $0x1;
	_ =	strace $0x80000046;
	[dreg:$0x1] =	wrdreg $0xFFFFFFFF  }
0xaa: {  	s28 =	simm.s32 $_size_execute0_lowered;
	s6 =	sadd.s32 s6, s8;
	[dreg:$0x0] =	wrdreg $0x0  }
0xab: {  	s8 =	sshll.u32 s28, $0x1;
	[dreg:$0x2] =	wrdreg s6  }
0xac: {  	[dreg:$0x3] =	wrdreg s8  }
0xad: {  	[dreg:$0x4] =	wrdreg $0xC0  }
0xae: {  	_ =	task [dreg:s10], $0x5FFFF  }
0xaf: {  	[dreg:$0x1] =	wrdreg $0xFFFFFFFF  }
0xb0: {  	[dreg:$0x0] =	wrdreg $0x60  }
0xb1: {  	[dreg:$0x2] =	wrdreg s2  }
0xb2: {  	[dreg:$0x3] =	wrdreg s18  }
0xb3: {  	[dreg:$0x4] =	wrdreg s4  }
0xb4: {  	[dreg:$0x5] =	wrdreg s5  }
0xb5: {  	[dreg:$0x6] =	wrdreg s24  }
0xb6: {  	[dreg:$0x7] =	wrdreg $0x9  }
0xb7: {  	_ =	task.clear_ibuf [dreg:s10], $0x8FFFF;
	_ =	strace $0x90000046  }
0xb8: {  	s29 =	simm.s32 $0x9;
	_ =	strace $0x80000048  }
0xb9: {  	_ =	swait.ge [sflag:s29], $0x1  }
0xba: {  	[sflag:s29] =	ssyncadd.s32 $0xFFFFFFFF  }
0xbb: {  	_ =	strace $0x90000048  }
0xbc: {  	_ =	sfence  }
0xbd: {  	s30 =	sld [smem:$0x0];
	_ =	sdelay $0x2  }
0xbe: {  	s31 =	sshll.u32 s1, $0xD;
	s1 =	sshrl.u32 s1, $0x2  }
0xbf: {  	s3 =	sand.u32 $0x4000, s31;
	s1 =	sadd.s32 s1, s30  }
0xc0: {  	s0 =	sor.u32 s3, s0;
	s1 =	sshll.u32 s1, $0x11  }
0xc1: {  	s0 =	sor.u32 s1, s0  }
0xc2: {  	s0 =	sadd.s32 $0x8F2B, s0  }
0xc3: {  	[sflag:s0] =	ssyncadd.remote.s32 $0x1  }
0xc4: {  	_ =	sfence.sel $0xFFFF  }
0xc5: {  	[dreg:$0x0] =	wrdreg $0xFFFFFFFF;
	(pc) =	sbr.abs _section_cstart, $3  }
0xc6: {  	[dreg:$0x1] =	wrdreg $0xFFFFFFFF  }
0xc7: {  	_ =	task.clear_ibuf [dreg:s10], $0x2FFFF;
	_ =	strace $0x9FFFFFFF  }
0xc8: {  	(tm) =	ssettm $0x7FFFFFFF  }
0xc9: {  	_ =	shalt  }
tec
execute0_lowered:
.L_overlay_start_1:
0x0: {  	(tag) =	ssettag $0x1  }
0x1: {  	s0 =	rddreg [dreg:$0x0]  }
0x2: {  	s1 =	rddreg [dreg:$0x1]  }
0x3: {  	s2 =	rddreg [dreg:$0x2]  }
0x4: {  	s3 =	rddreg [dreg:$0x3]  }
0x5: {  	s5 =	rddreg [dreg:$0x4];
	s6 =	srdreg.scid;
	s4 =	simm.s32 $0x0  }
0x6: {  	s7 =	stileid.u32;
	s18 =	simm.s32 $0x1;
	s20 =	simm.s32 $0x880  }
0x7: {  	s21 =	simm.s32 $0x1080;
	s22 =	simm.s32 $0x1880;
	s23 =	simm.s32 $0x2080  }
0x8: {  	s24 =	simm.s32 $0x2880;
	s28 =	simm.s32 $0x4080;
	s29 =	simm.s32 $0x4880  }
0x9: {  	s30 =	simm.s32 $0x5080;
	s31 =	simm.s32 $0x5880;
	s11 =	simm.s32 $0x7880  }
0xa: {  	s12 =	simm.s32 $0x8080;
	s13 =	simm.s32 $0x8880;
	s14 =	simm.s32 $0x9080  }
0xb: {  	s15 =	simm.s32 $0x9880;
	s16 =	simm.s32 $0xA080;
	s6 =	sand.u32 $0x1, s6  }
0xc: {  	s17 =	simm.s32 $0xA880;
	s7 =	sshll.u32 s7, $0x8;
	s8 =	sshll.u32 s6, $0x7  }
0xd: {  	[smem:$0x7FF] =	sst s4;
	s6 =	ssub.s32 $0x2, s6;
	s7 =	sor.u32 s8, s7  }
0xe: {  	_ =	strace $0x80000047;
	s9 =	sshrl.u32 s6, $0x1;
	s8 =	sshll.u32 s7, $0x6  }
0xf: {  	s7 =	sshrl.u32 s7, $0x3;
	s9 =	ssub.s32 s6, s9;
	s6 =	sadd.s32 $0x100, s2  }
0x10: {  	s10 =	sadd.s32 s8, s5;
	s0 =	sadd.s32 s0, s7;
	s5 =	sadd.s32 $0x100, s1  }
0x11: {  	s25 =	sadd.s32 s3, s8;
	s7 =	smax.u32 s9, $0x1;
	s8 =	simm.s32 $0x2  }
0x12: {  	v2 =	vlaneseq.u32;
	s3 =	simm.s32 $0x6880;
	s9 =	simm.s32 $0xB080;
	[dreg:$0x6] =	wrdreg s0  }
0x13: {  	vm0 =	vmmov $0xffff;
	v1 =	vshrl.u32 v2, $0x3;
	[dreg:$0x7] =	wrdreg s25;
	s26 =	sadd.s32 $0x1600, s10;
	s25 =	simm.s32 $0x3080  }
0x14: {  	v0 =	vand.u32 $0x7, v2;
	v2 =	vor.u32 $0x8, v2;
	v1 =	vmul.u32 $0x8, v1;
	s10 =	simm.s32 $0x7080;
	[dreg:$0x8] =	wrdreg s26;
	s26 =	simm.s32 $0x3880  }
.LBB2_1:
0x15: {  	s19 =	rddreg [dreg:$0x6]  }
0x16: {  	[tilespmem:s4], [sflag:$0x2] =	stream.linear.gather [hbm4b:s19+s4], $0x80, $0x38;
	[tilespmem:$0x10080] =	vst v63  }
0x17: {  	_ =	swait.ge [sflag:s8], $0x80  }
0x18: {  	[sflag:s8] =	ssyncset.done $0x0  }
0x19: {  	[sflag:s8] =	ssyncadd.s32 $0xFFFFFF80  }
0x1a: {  	v3 =	vld [tilespmem:$0x0];
	_ =	sdelay $0x4  }
0x1b: {  	v4 =	vshll.u32 v3, $0x2  }
0x1c: {  	v3 =	vand.u32 $0x7, v3;
	v4 =	vand.u32 $0xFFFFFFE0, v4  }
0x1d: {  	v3 =	vor.u32 v3, v4  }
0x1e: {  	v4 =	vperm.xlane v3, v0;
	_ =	sdelay $0x1  }
0x1f: {  	v4 =	vadd.s32 v1, v4;
	_ =	sdelay $0x1  }
0x20: {  	v3 =	vperm.xlane v3, v2;
	_ =	sdelay $0x1  }
0x21: {  	s0 =	simm.s32 $0x80;
	v3 =	vadd.s32 v1, v3  }
0x22: {  	[tilespmem:s0], [sflag:$0x1] =	stream.indirect_vreg.gather [hbm4b:s1+s4], $0x80, v4, vm0, $0xb8;
	[tilespmem:$0x10080] =	vst v63  }
0x23: {  	_ = 	snop  }
0x24: {  	[tilespmem:s20], [sflag:$0x1] =	stream.indirect_vreg.gather [hbm4b:s5+s4], $0x80, v4, vm0, $0xb8;
	[tilespmem:$0x10080] =	vst v63  }
0x25: {  	_ = 	snop  }
0x26: {  	[tilespmem:s21], [sflag:$0x1] =	stream.indirect_vreg.gather [hbm4b:s1+s4], $0x80, v3, vm0, $0xb8;
	[tilespmem:$0x10080] =	vst v63  }
0x27: {  	_ = 	snop  }
0x28: {  	[tilespmem:s22], [sflag:$0x1] =	stream.indirect_vreg.gather [hbm4b:s5+s4], $0x80, v3, vm0, $0xb8;
	[tilespmem:$0x10080] =	vst v63  }
0x29: {  	v3 =	vld [tilespmem:$0x10];
	_ =	sdelay $0x4  }
0x2a: {  	v49 =	vshll.u32 v3, $0x2  }
0x2b: {  	v3 =	vand.u32 $0x7, v3;
	v4 =	vand.u32 $0xFFFFFFE0, v49  }
0x2c: {  	v3 =	vor.u32 v3, v4  }
0x2d: {  	v4 =	vperm.xlane v3, v0;
	_ =	sdelay $0x1  }
0x2e: {  	v4 =	vadd.s32 v1, v4;
	_ =	sdelay $0x1  }
0x2f: {  	v3 =	vperm.xlane v3, v2;
	_ =	sdelay $0x1  }
0x30: {  	v3 =	vadd.s32 v1, v3  }
0x31: {  	[tilespmem:s23], [sflag:$0x1] =	stream.indirect_vreg.gather [hbm4b:s1+s4], $0x80, v4, vm0, $0xb8;
	[tilespmem:$0x10080] =	vst v63  }
0x32: {  	_ = 	snop  }
0x33: {  	[tilespmem:s24], [sflag:$0x1] =	stream.indirect_vreg.gather [hbm4b:s5+s4], $0x80, v4, vm0, $0xb8;
	[tilespmem:$0x10080] =	vst v63  }
0x34: {  	_ = 	snop  }
0x35: {  	[tilespmem:s25], [sflag:$0x1] =	stream.indirect_vreg.gather [hbm4b:s1+s4], $0x80, v3, vm0, $0xb8;
	[tilespmem:$0x10080] =	vst v63  }
0x36: {  	_ = 	snop  }
0x37: {  	[tilespmem:s26], [sflag:$0x1] =	stream.indirect_vreg.gather [hbm4b:s5+s4], $0x80, v3, vm0, $0xb8;
	[tilespmem:$0x10080] =	vst v63  }
0x38: {  	v3 =	vld [tilespmem:$0x20];
	_ =	sdelay $0x4  }
0x39: {  	v50 =	vshll.u32 v3, $0x2  }
0x3a: {  	v3 =	vand.u32 $0x7, v3;
	v4 =	vand.u32 $0xFFFFFFE0, v50  }
0x3b: {  	v3 =	vor.u32 v3, v4  }
0x3c: {  	v4 =	vperm.xlane v3, v0;
	_ =	sdelay $0x1  }
0x3d: {  	v4 =	vadd.s32 v1, v4;
	_ =	sdelay $0x1  }
0x3e: {  	v3 =	vperm.xlane v3, v2;
	_ =	sdelay $0x1  }
0x3f: {  	v3 =	vadd.s32 v1, v3  }
0x40: {  	[tilespmem:s28], [sflag:$0x1] =	stream.indirect_vreg.gather [hbm4b:s1+s4], $0x80, v4, vm0, $0xb8;
	[tilespmem:$0x10080] =	vst v63  }
0x41: {  	_ = 	snop  }
0x42: {  	[tilespmem:s29], [sflag:$0x1] =	stream.indirect_vreg.gather [hbm4b:s5+s4], $0x80, v4, vm0, $0xb8;
	[tilespmem:$0x10080] =	vst v63  }
0x43: {  	_ = 	snop  }
0x44: {  	[tilespmem:s30], [sflag:$0x1] =	stream.indirect_vreg.gather [hbm4b:s1+s4], $0x80, v3, vm0, $0xb8;
	[tilespmem:$0x10080] =	vst v63  }
0x45: {  	_ = 	snop  }
0x46: {  	[tilespmem:s31], [sflag:$0x1] =	stream.indirect_vreg.gather [hbm4b:s5+s4], $0x80, v3, vm0, $0xb8;
	[tilespmem:$0x10080] =	vst v63  }
0x47: {  	v3 =	vld [tilespmem:$0x30];
	_ =	sdelay $0x4  }
0x48: {  	v51 =	vshll.u32 v3, $0x2  }
0x49: {  	v3 =	vand.u32 $0x7, v3;
	v4 =	vand.u32 $0xFFFFFFE0, v51  }
0x4a: {  	v3 =	vor.u32 v3, v4  }
0x4b: {  	v4 =	vperm.xlane v3, v0;
	_ =	sdelay $0x1  }
0x4c: {  	v4 =	vadd.s32 v1, v4;
	_ =	sdelay $0x1  }
0x4d: {  	v3 =	vperm.xlane v3, v2;
	_ =	sdelay $0x1  }
0x4e: {  	s19 =	simm.s32 $0x6080;
	v3 =	vadd.s32 v1, v3  }
0x4f: {  	[tilespmem:s19], [sflag:$0x1] =	stream.indirect_vreg.gather [hbm4b:s1+s4], $0x80, v4, vm0, $0xb8;
	[tilespmem:$0x10080] =	vst v63  }
0x50: {  	_ = 	snop  }
0x51: {  	[tilespmem:s3], [sflag:$0x1] =	stream.indirect_vreg.gather [hbm4b:s5+s4], $0x80, v4, vm0, $0xb8;
	[tilespmem:$0x10080] =	vst v63  }
0x52: {  	_ = 	snop  }
0x53: {  	[tilespmem:s10], [sflag:$0x1] =	stream.indirect_vreg.gather [hbm4b:s1+s4], $0x80, v3, vm0, $0xb8;
	[tilespmem:$0x10080] =	vst v63  }
0x54: {  	_ = 	snop  }
0x55: {  	[tilespmem:s11], [sflag:$0x1] =	stream.indirect_vreg.gather [hbm4b:s5+s4], $0x80, v3, vm0, $0xb8;
	[tilespmem:$0x10080] =	vst v63  }
0x56: {  	v3 =	vld [tilespmem:$0x40];
	_ =	sdelay $0x4  }
0x57: {  	v52 =	vshll.u32 v3, $0x2  }
0x58: {  	v3 =	vand.u32 $0x7, v3;
	v4 =	vand.u32 $0xFFFFFFE0, v52  }
0x59: {  	v3 =	vor.u32 v3, v4  }
0x5a: {  	v4 =	vperm.xlane v3, v0;
	_ =	sdelay $0x1  }
0x5b: {  	v4 =	vadd.s32 v1, v4;
	_ =	sdelay $0x1  }
0x5c: {  	v3 =	vperm.xlane v3, v2;
	_ =	sdelay $0x1  }
0x5d: {  	v3 =	vadd.s32 v1, v3  }
0x5e: {  	[tilespmem:s12], [sflag:$0x1] =	stream.indirect_vreg.gather [hbm4b:s1+s4], $0x80, v4, vm0, $0xb8;
	[tilespmem:$0x10080] =	vst v63  }
0x5f: {  	_ = 	snop  }
0x60: {  	[tilespmem:s13], [sflag:$0x1] =	stream.indirect_vreg.gather [hbm4b:s5+s4], $0x80, v4, vm0, $0xb8;
	[tilespmem:$0x10080] =	vst v63  }
0x61: {  	_ = 	snop  }
0x62: {  	[tilespmem:s14], [sflag:$0x1] =	stream.indirect_vreg.gather [hbm4b:s1+s4], $0x80, v3, vm0, $0xb8;
	[tilespmem:$0x10080] =	vst v63  }
0x63: {  	_ = 	snop  }
0x64: {  	[tilespmem:s15], [sflag:$0x1] =	stream.indirect_vreg.gather [hbm4b:s5+s4], $0x80, v3, vm0, $0xb8;
	[tilespmem:$0x10080] =	vst v63  }
0x65: {  	v3 =	vld [tilespmem:$0x50];
	_ =	sdelay $0x4  }
0x66: {  	v53 =	vshll.u32 v3, $0x2  }
0x67: {  	v3 =	vand.u32 $0x7, v3;
	v4 =	vand.u32 $0xFFFFFFE0, v53  }
0x68: {  	v3 =	vor.u32 v3, v4  }
0x69: {  	v4 =	vperm.xlane v3, v0;
	_ =	sdelay $0x1  }
0x6a: {  	v4 =	vadd.s32 v1, v4;
	_ =	sdelay $0x1  }
0x6b: {  	v3 =	vperm.xlane v3, v2;
	_ =	sdelay $0x1  }
0x6c: {  	v3 =	vadd.s32 v1, v3  }
0x6d: {  	[tilespmem:s16], [sflag:$0x1] =	stream.indirect_vreg.gather [hbm4b:s1+s4], $0x80, v4, vm0, $0xb8;
	[tilespmem:$0x10080] =	vst v63  }
0x6e: {  	_ = 	snop  }
0x6f: {  	[tilespmem:s17], [sflag:$0x1] =	stream.indirect_vreg.gather [hbm4b:s5+s4], $0x80, v4, vm0, $0xb8;
	[tilespmem:$0x10080] =	vst v63  }
0x70: {  	_ = 	snop  }
0x71: {  	[tilespmem:s9], [sflag:$0x1] =	stream.indirect_vreg.gather [hbm4b:s1+s4], $0x80, v3, vm0, $0xb8;
	[tilespmem:$0x10080] =	vst v63  }
0x72: {  	s19 =	simm.s32 $0xB880  }
0x73: {  	[tilespmem:s19], [sflag:$0x1] =	stream.indirect_vreg.gather [hbm4b:s5+s4], $0x80, v3, vm0, $0xb8;
	[tilespmem:$0x10080] =	vst v63  }
0x74: {  	v3 =	vld [tilespmem:$0x60];
	_ =	sdelay $0x4  }
0x75: {  	v54 =	vshll.u32 v3, $0x2  }
0x76: {  	v3 =	vand.u32 $0x7, v3;
	v4 =	vand.u32 $0xFFFFFFE0, v54  }
0x77: {  	v3 =	vor.u32 v3, v4  }
0x78: {  	v4 =	vperm.xlane v3, v0;
	_ =	sdelay $0x1  }
0x79: {  	v4 =	vadd.s32 v1, v4;
	_ =	sdelay $0x1  }
0x7a: {  	v3 =	vperm.xlane v3, v2;
	_ =	sdelay $0x1  }
0x7b: {  	s19 =	simm.s32 $0xC080;
	v3 =	vadd.s32 v1, v3  }
0x7c: {  	[tilespmem:s19], [sflag:$0x1] =	stream.indirect_vreg.gather [hbm4b:s1+s4], $0x80, v4, vm0, $0xb8;
	[tilespmem:$0x10080] =	vst v63  }
0x7d: {  	s19 =	simm.s32 $0xC880  }
0x7e: {  	[tilespmem:s19], [sflag:$0x1] =	stream.indirect_vreg.gather [hbm4b:s5+s4], $0x80, v4, vm0, $0xb8;
	[tilespmem:$0x10080] =	vst v63  }
0x7f: {  	s19 =	simm.s32 $0xD080  }
0x80: {  	[tilespmem:s19], [sflag:$0x1] =	stream.indirect_vreg.gather [hbm4b:s1+s4], $0x80, v3, vm0, $0xb8;
	[tilespmem:$0x10080] =	vst v63  }
0x81: {  	s19 =	simm.s32 $0xD880  }
0x82: {  	[tilespmem:s19], [sflag:$0x1] =	stream.indirect_vreg.gather [hbm4b:s5+s4], $0x80, v3, vm0, $0xb8;
	[tilespmem:$0x10080] =	vst v63  }
0x83: {  	v3 =	vld [tilespmem:$0x70];
	_ =	sdelay $0x4  }
0x84: {  	v55 =	vshll.u32 v3, $0x2  }
0x85: {  	v3 =	vand.u32 $0x7, v3;
	v4 =	vand.u32 $0xFFFFFFE0, v55  }
0x86: {  	v3 =	vor.u32 v3, v4  }
0x87: {  	v4 =	vperm.xlane v3, v0;
	_ =	sdelay $0x1  }
0x88: {  	v4 =	vadd.s32 v1, v4;
	_ =	sdelay $0x1  }
0x89: {  	v3 =	vperm.xlane v3, v2;
	_ =	sdelay $0x1  }
0x8a: {  	s19 =	simm.s32 $0xE080;
	v3 =	vadd.s32 v1, v3  }
0x8b: {  	[tilespmem:s19], [sflag:$0x1] =	stream.indirect_vreg.gather [hbm4b:s1+s4], $0x80, v4, vm0, $0xb8;
	[tilespmem:$0x10080] =	vst v63  }
0x8c: {  	s19 =	simm.s32 $0xE880  }
0x8d: {  	[tilespmem:s19], [sflag:$0x1] =	stream.indirect_vreg.gather [hbm4b:s5+s4], $0x80, v4, vm0, $0xb8;
	[tilespmem:$0x10080] =	vst v63  }
0x8e: {  	s19 =	simm.s32 $0xF080  }
0x8f: {  	[tilespmem:s19], [sflag:$0x1] =	stream.indirect_vreg.gather [hbm4b:s1+s4], $0x80, v3, vm0, $0xb8;
	[tilespmem:$0x10080] =	vst v63  }
0x90: {  	s19 =	simm.s32 $0xF880  }
0x91: {  	[tilespmem:s19], [sflag:$0x1] =	stream.indirect_vreg.gather [hbm4b:s5+s4], $0x80, v3, vm0, $0xb8;
	[tilespmem:$0x10080] =	vst v63  }
0x92: {  	_ =	swait.ge [sflag:s18], $0x10000  }
0x93: {  	[sflag:s18] =	ssyncset.done $0x0  }
0x94: {  	s0 =	simm.s32 $0x80;
	s19 =	rddreg [dreg:$0x7];
	[sflag:s18] =	ssyncadd.s32 $0xFFFF0000  }
0x95: {  	[hbm4b:s19+s4] =	stream.linear.scatter [tilespmem:s0], [sflag:$0x2], $0x10000, $0x38;
	[tilespmem:$0x10080] =	vst v63  }
0x96: {  	_ =	swait.ge [sflag:s8], $0x10000  }
0x97: {  	[sflag:s8] =	ssyncset.done $0x0  }
0x98: {  	[sflag:s8] =	ssyncadd.s32 $0xFFFF0000  }
0x99: {  	v3 =	vld [tilespmem:$0x0];
	_ =	sdelay $0x4  }
0x9a: {  	v56 =	vshll.u32 v3, $0x2  }
0x9b: {  	v3 =	vand.u32 $0x7, v3;
	v4 =	vand.u32 $0xFFFFFFE0, v56  }
0x9c: {  	v3 =	vor.u32 v3, v4  }
0x9d: {  	v4 =	vperm.xlane v3, v0;
	_ =	sdelay $0x1  }
0x9e: {  	v4 =	vadd.s32 v1, v4;
	_ =	sdelay $0x1  }
0x9f: {  	v3 =	vperm.xlane v3, v2;
	_ =	sdelay $0x1  }
0xa0: {  	v3 =	vadd.s32 v1, v3  }
0xa1: {  	[tilespmem:s0], [sflag:$0x1] =	stream.indirect_vreg.gather [hbm4b:s2+s4], $0x80, v4, vm0, $0xb8;
	[tilespmem:$0x10080] =	vst v63  }
0xa2: {  	_ = 	snop  }
0xa3: {  	[tilespmem:s20], [sflag:$0x1] =	stream.indirect_vreg.gather [hbm4b:s6+s4], $0x80, v4, vm0, $0xb8;
	[tilespmem:$0x10080] =	vst v63  }
0xa4: {  	_ = 	snop  }
0xa5: {  	[tilespmem:s21], [sflag:$0x1] =	stream.indirect_vreg.gather [hbm4b:s2+s4], $0x80, v3, vm0, $0xb8;
	[tilespmem:$0x10080] =	vst v63  }
0xa6: {  	_ = 	snop  }
0xa7: {  	[tilespmem:s22], [sflag:$0x1] =	stream.indirect_vreg.gather [hbm4b:s6+s4], $0x80, v3, vm0, $0xb8;
	[tilespmem:$0x10080] =	vst v63  }
0xa8: {  	v3 =	vld [tilespmem:$0x10];
	_ =	sdelay $0x4  }
0xa9: {  	v57 =	vshll.u32 v3, $0x2  }
0xaa: {  	v3 =	vand.u32 $0x7, v3;
	v4 =	vand.u32 $0xFFFFFFE0, v57  }
0xab: {  	v3 =	vor.u32 v3, v4  }
0xac: {  	v4 =	vperm.xlane v3, v0;
	_ =	sdelay $0x1  }
0xad: {  	v4 =	vadd.s32 v1, v4;
	_ =	sdelay $0x1  }
0xae: {  	v3 =	vperm.xlane v3, v2;
	_ =	sdelay $0x1  }
0xaf: {  	v3 =	vadd.s32 v1, v3  }
0xb0: {  	[tilespmem:s23], [sflag:$0x1] =	stream.indirect_vreg.gather [hbm4b:s2+s4], $0x80, v4, vm0, $0xb8;
	[tilespmem:$0x10080] =	vst v63  }
0xb1: {  	_ = 	snop  }
0xb2: {  	[tilespmem:s24], [sflag:$0x1] =	stream.indirect_vreg.gather [hbm4b:s6+s4], $0x80, v4, vm0, $0xb8;
	[tilespmem:$0x10080] =	vst v63  }
0xb3: {  	_ = 	snop  }
0xb4: {  	[tilespmem:s25], [sflag:$0x1] =	stream.indirect_vreg.gather [hbm4b:s2+s4], $0x80, v3, vm0, $0xb8;
	[tilespmem:$0x10080] =	vst v63  }
0xb5: {  	_ = 	snop  }
0xb6: {  	[tilespmem:s26], [sflag:$0x1] =	stream.indirect_vreg.gather [hbm4b:s6+s4], $0x80, v3, vm0, $0xb8;
	[tilespmem:$0x10080] =	vst v63  }
0xb7: {  	v3 =	vld [tilespmem:$0x20];
	_ =	sdelay $0x4  }
0xb8: {  	v58 =	vshll.u32 v3, $0x2  }
0xb9: {  	v3 =	vand.u32 $0x7, v3;
	v4 =	vand.u32 $0xFFFFFFE0, v58  }
0xba: {  	v3 =	vor.u32 v3, v4  }
0xbb: {  	v4 =	vperm.xlane v3, v0;
	_ =	sdelay $0x1  }
0xbc: {  	v4 =	vadd.s32 v1, v4;
	_ =	sdelay $0x1  }
0xbd: {  	v3 =	vperm.xlane v3, v2;
	_ =	sdelay $0x1  }
0xbe: {  	v3 =	vadd.s32 v1, v3  }
0xbf: {  	[tilespmem:s28], [sflag:$0x1] =	stream.indirect_vreg.gather [hbm4b:s2+s4], $0x80, v4, vm0, $0xb8;
	[tilespmem:$0x10080] =	vst v63  }
0xc0: {  	_ = 	snop  }
0xc1: {  	[tilespmem:s29], [sflag:$0x1] =	stream.indirect_vreg.gather [hbm4b:s6+s4], $0x80, v4, vm0, $0xb8;
	[tilespmem:$0x10080] =	vst v63  }
0xc2: {  	_ = 	snop  }
0xc3: {  	[tilespmem:s30], [sflag:$0x1] =	stream.indirect_vreg.gather [hbm4b:s2+s4], $0x80, v3, vm0, $0xb8;
	[tilespmem:$0x10080] =	vst v63  }
0xc4: {  	_ = 	snop  }
0xc5: {  	[tilespmem:s31], [sflag:$0x1] =	stream.indirect_vreg.gather [hbm4b:s6+s4], $0x80, v3, vm0, $0xb8;
	[tilespmem:$0x10080] =	vst v63  }
0xc6: {  	v3 =	vld [tilespmem:$0x30];
	_ =	sdelay $0x4  }
0xc7: {  	v59 =	vshll.u32 v3, $0x2  }
0xc8: {  	v3 =	vand.u32 $0x7, v3;
	v4 =	vand.u32 $0xFFFFFFE0, v59  }
0xc9: {  	v3 =	vor.u32 v3, v4  }
0xca: {  	v4 =	vperm.xlane v3, v0;
	_ =	sdelay $0x1  }
0xcb: {  	v4 =	vadd.s32 v1, v4;
	_ =	sdelay $0x1  }
0xcc: {  	v3 =	vperm.xlane v3, v2;
	_ =	sdelay $0x1  }
0xcd: {  	s19 =	simm.s32 $0x6080;
	v3 =	vadd.s32 v1, v3  }
0xce: {  	[tilespmem:s19], [sflag:$0x1] =	stream.indirect_vreg.gather [hbm4b:s2+s4], $0x80, v4, vm0, $0xb8;
	[tilespmem:$0x10080] =	vst v63  }
0xcf: {  	_ = 	snop  }
0xd0: {  	[tilespmem:s3], [sflag:$0x1] =	stream.indirect_vreg.gather [hbm4b:s6+s4], $0x80, v4, vm0, $0xb8;
	[tilespmem:$0x10080] =	vst v63  }
0xd1: {  	_ = 	snop  }
0xd2: {  	[tilespmem:s10], [sflag:$0x1] =	stream.indirect_vreg.gather [hbm4b:s2+s4], $0x80, v3, vm0, $0xb8;
	[tilespmem:$0x10080] =	vst v63  }
0xd3: {  	_ = 	snop  }
0xd4: {  	[tilespmem:s11], [sflag:$0x1] =	stream.indirect_vreg.gather [hbm4b:s6+s4], $0x80, v3, vm0, $0xb8;
	[tilespmem:$0x10080] =	vst v63  }
0xd5: {  	v3 =	vld [tilespmem:$0x40];
	_ =	sdelay $0x4  }
0xd6: {  	v60 =	vshll.u32 v3, $0x2  }
0xd7: {  	v3 =	vand.u32 $0x7, v3;
	v4 =	vand.u32 $0xFFFFFFE0, v60  }
0xd8: {  	v3 =	vor.u32 v3, v4  }
0xd9: {  	v4 =	vperm.xlane v3, v0;
	_ =	sdelay $0x1  }
0xda: {  	v4 =	vadd.s32 v1, v4;
	_ =	sdelay $0x1  }
0xdb: {  	v3 =	vperm.xlane v3, v2;
	_ =	sdelay $0x1  }
0xdc: {  	v3 =	vadd.s32 v1, v3  }
0xdd: {  	[tilespmem:s12], [sflag:$0x1] =	stream.indirect_vreg.gather [hbm4b:s2+s4], $0x80, v4, vm0, $0xb8;
	[tilespmem:$0x10080] =	vst v63  }
0xde: {  	_ = 	snop  }
0xdf: {  	[tilespmem:s13], [sflag:$0x1] =	stream.indirect_vreg.gather [hbm4b:s6+s4], $0x80, v4, vm0, $0xb8;
	[tilespmem:$0x10080] =	vst v63  }
0xe0: {  	_ = 	snop  }
0xe1: {  	[tilespmem:s14], [sflag:$0x1] =	stream.indirect_vreg.gather [hbm4b:s2+s4], $0x80, v3, vm0, $0xb8;
	[tilespmem:$0x10080] =	vst v63  }
0xe2: {  	_ = 	snop  }
0xe3: {  	[tilespmem:s15], [sflag:$0x1] =	stream.indirect_vreg.gather [hbm4b:s6+s4], $0x80, v3, vm0, $0xb8;
	[tilespmem:$0x10080] =	vst v63  }
0xe4: {  	v3 =	vld [tilespmem:$0x50];
	_ =	sdelay $0x4  }
0xe5: {  	v61 =	vshll.u32 v3, $0x2  }
0xe6: {  	v3 =	vand.u32 $0x7, v3;
	v4 =	vand.u32 $0xFFFFFFE0, v61  }
0xe7: {  	v3 =	vor.u32 v3, v4  }
0xe8: {  	v4 =	vperm.xlane v3, v0;
	_ =	sdelay $0x1  }
0xe9: {  	v4 =	vadd.s32 v1, v4;
	_ =	sdelay $0x1  }
0xea: {  	v3 =	vperm.xlane v3, v2;
	_ =	sdelay $0x1  }
0xeb: {  	v3 =	vadd.s32 v1, v3  }
0xec: {  	[tilespmem:s16], [sflag:$0x1] =	stream.indirect_vreg.gather [hbm4b:s2+s4], $0x80, v4, vm0, $0xb8;
	[tilespmem:$0x10080] =	vst v63  }
0xed: {  	_ = 	snop  }
0xee: {  	[tilespmem:s17], [sflag:$0x1] =	stream.indirect_vreg.gather [hbm4b:s6+s4], $0x80, v4, vm0, $0xb8;
	[tilespmem:$0x10080] =	vst v63  }
0xef: {  	_ = 	snop  }
0xf0: {  	[tilespmem:s9], [sflag:$0x1] =	stream.indirect_vreg.gather [hbm4b:s2+s4], $0x80, v3, vm0, $0xb8;
	[tilespmem:$0x10080] =	vst v63  }
0xf1: {  	s19 =	simm.s32 $0xB880  }
0xf2: {  	[tilespmem:s19], [sflag:$0x1] =	stream.indirect_vreg.gather [hbm4b:s6+s4], $0x80, v3, vm0, $0xb8;
	[tilespmem:$0x10080] =	vst v63  }
0xf3: {  	v3 =	vld [tilespmem:$0x60];
	_ =	sdelay $0x4  }
0xf4: {  	v62 =	vshll.u32 v3, $0x2  }
0xf5: {  	v3 =	vand.u32 $0x7, v3;
	v4 =	vand.u32 $0xFFFFFFE0, v62  }
0xf6: {  	v3 =	vor.u32 v3, v4  }
0xf7: {  	v4 =	vperm.xlane v3, v0;
	_ =	sdelay $0x1  }
0xf8: {  	v4 =	vadd.s32 v1, v4;
	_ =	sdelay $0x1  }
0xf9: {  	v3 =	vperm.xlane v3, v2;
	_ =	sdelay $0x1  }
0xfa: {  	s19 =	simm.s32 $0xC080;
	v3 =	vadd.s32 v1, v3  }
0xfb: {  	[tilespmem:s19], [sflag:$0x1] =	stream.indirect_vreg.gather [hbm4b:s2+s4], $0x80, v4, vm0, $0xb8;
	[tilespmem:$0x10080] =	vst v63  }
0xfc: {  	s19 =	simm.s32 $0xC880  }
0xfd: {  	[tilespmem:s19], [sflag:$0x1] =	stream.indirect_vreg.gather [hbm4b:s6+s4], $0x80, v4, vm0, $0xb8;
	[tilespmem:$0x10080] =	vst v63  }
0xfe: {  	s19 =	simm.s32 $0xD080  }
0xff: {  	[tilespmem:s19], [sflag:$0x1] =	stream.indirect_vreg.gather [hbm4b:s2+s4], $0x80, v3, vm0, $0xb8;
	[tilespmem:$0x10080] =	vst v63  }
0x100: {  	s19 =	simm.s32 $0xD880  }
0x101: {  	[tilespmem:s19], [sflag:$0x1] =	stream.indirect_vreg.gather [hbm4b:s6+s4], $0x80, v3, vm0, $0xb8;
	[tilespmem:$0x10080] =	vst v63  }
0x102: {  	v3 =	vld [tilespmem:$0x70];
	_ =	sdelay $0x4  }
0x103: {  	v63 =	vshll.u32 v3, $0x2  }
0x104: {  	v3 =	vand.u32 $0x7, v3;
	v4 =	vand.u32 $0xFFFFFFE0, v63  }
0x105: {  	v3 =	vor.u32 v3, v4  }
0x106: {  	v4 =	vperm.xlane v3, v0;
	_ =	sdelay $0x1  }
0x107: {  	v4 =	vadd.s32 v1, v4;
	_ =	sdelay $0x1  }
0x108: {  	v3 =	vperm.xlane v3, v2;
	_ =	sdelay $0x1  }
0x109: {  	s19 =	simm.s32 $0xE080;
	v3 =	vadd.s32 v1, v3  }
0x10a: {  	[tilespmem:s19], [sflag:$0x1] =	stream.indirect_vreg.gather [hbm4b:s2+s4], $0x80, v4, vm0, $0xb8;
	[tilespmem:$0x10080] =	vst v63  }
0x10b: {  	s19 =	simm.s32 $0xE880  }
0x10c: {  	[tilespmem:s19], [sflag:$0x1] =	stream.indirect_vreg.gather [hbm4b:s6+s4], $0x80, v4, vm0, $0xb8;
	[tilespmem:$0x10080] =	vst v63  }
0x10d: {  	s19 =	simm.s32 $0xF080  }
0x10e: {  	[tilespmem:s19], [sflag:$0x1] =	stream.indirect_vreg.gather [hbm4b:s2+s4], $0x80, v3, vm0, $0xb8;
	[tilespmem:$0x10080] =	vst v63  }
0x10f: {  	s19 =	simm.s32 $0xF880  }
0x110: {  	[tilespmem:s19], [sflag:$0x1] =	stream.indirect_vreg.gather [hbm4b:s6+s4], $0x80, v3, vm0, $0xb8;
	[tilespmem:$0x10080] =	vst v63  }
0x111: {  	_ =	swait.ge [sflag:s18], $0x10000  }
0x112: {  	p0 =	sne.s32 s7, $0x1;
	s0 =	simm.s32 $0x80;
	[sflag:s18] =	ssyncset.done $0x0  }
.Ltmp0:
0x113: {  	s19 =	rddreg [dreg:$0x8];
	[sflag:s18] =	ssyncadd.s32 $0xFFFF0000;
	(pc) =	sbr.rel @p0 .LBB2_1-.Ltmp0, $4  }
0x114: {  	[hbm4b:s19+s4] =	stream.linear.scatter [tilespmem:s0], [sflag:$0x2], $0x10000, $0x38;
	[tilespmem:$0x10080] =	vst v63  }
0x115: {  	_ =	swait.ge [sflag:s8], $0x10000  }
0x116: {  	[sflag:s8] =	ssyncset.done $0x0  }
0x117: {  	s7 =	sadd.s32 $0xFFFFFFFF, s7;
	[sflag:s8] =	ssyncadd.s32 $0xFFFF0000  }
0x118: {  	_ =	sfence.sel $0x180000  }
0x119: {  	[bflag:$0x0] =	sbarrier.arrive $0xFFFF  }
0x11a: {  	_ =	strace $0x90000047  }
0x11b: {  	s0 =	stileid.u32;
	[bflag:$0x2] =	sbarrier.arrive $0xFFFF  }
0x11c: {  	p0 =	sne.s32 s0, $0x0;
	s0 =	rddreg [dreg:$0x5]  }
0x11d: {  	s0 =	sadd.s32 @!p0 $0x100000, s0  }
0x11e: {  	[sflag:s0] =	ssyncadd.tile.s32 @!p0 $0x1;
	_ =	shalt  }
.Lfunc_end2:
_tile_overlayer_lowered:
.L_overlay_start_2:
0x11f: {  	(tag) =	ssettag $0x2  }
0x120: {  	s0 =	rddreg [dreg:$0x0];
	s2 =	stileid.u32  }
0x121: {  	s1 =	rddreg [dreg:$0x1];
	p0 =	sne.s32 s2, $0x0  }
0x122: {  	s3 =	rddreg [dreg:$0x2];
	[bflag:$0x3] =	sbarrier.arrive $0xFFFF;
	s2 =	simm.s32 @!p0 $0x1C02  }
0x123: {  	[timem:s3], [sflag:s2] =	dma.local @!p0 [hbm:s0], s1  }
0x124: {  	s0 =	simm.s32 @!p0 $0x2  }
0x125: {  	_ =	swait.ge @!p0 [sflag:s0], s1  }
0x126: {  	s1 =	ssub.s32 @!p0 $0x0, s1;
	[sflag:s0] =	ssyncset.done @!p0 $0x0  }
0x127: {  	[sflag:s0] =	ssyncadd.s32 @!p0 s1  }
0x128: {  	[bflag:$0x3] =	sbarrier.arrive $0xFFFF  }
0x129: {  	_ =	shalt  }

</sc_bundles>
